<compile_context>
chip_gen: v7x
topology: tpu7x:2x2x1
jax: 0.10.2.dev20260603
libtpu: 0.0.44.dev20260713+nightly
codegen_flags: <defaults>
</compile_context>

<pallas_src>
import functools

import jax
import jax.numpy as jnp
from jax import lax
from jax.experimental import pallas as pl
from jax.experimental.pallas import tpu as pltpu
from jax.experimental.pallas import tpu_sc as plsc

NUM_GRAPHS = 64
NUM_VIRTUAL = 4
N_NODES = 10000
HIDDEN = 128

NW = 32
N_PAD = 10240
ROWS_W = N_PAD // NW
CHUNK = 80
NCHUNK = ROWS_W // CHUNK


def _enc_kernel(x_ref, W_ref, b_ref, nf_ref):
    nf = jnp.maximum(jnp.dot(x_ref[...], W_ref[...]) + b_ref[...], 0.0)
    mask = lax.broadcasted_iota(jnp.int32, (N_PAD, 1), 0) < N_NODES
    nf_ref[...] = jnp.where(mask, nf, 0.0)


def _sc_segsum_body(nf_hbm, batch_hbm, zeros_hbm, out_hbm,
                    idx_v, rows_v, shared):
    cid = lax.axis_index("c")
    sid = lax.axis_index("s")
    wid = sid * 2 + cid
    base = wid * ROWS_W
    pltpu.sync_copy(batch_hbm.at[pl.ds(base, ROWS_W)], idx_v)
    pltpu.sync_copy(nf_hbm.at[pl.ds(base, ROWS_W)], rows_v)

    @pl.when(sid == 0)
    def _():
        pltpu.sync_copy(zeros_hbm, shared)

    plsc.subcore_barrier()
    for j in range(NCHUNK):
        pltpu.sync_copy(rows_v.at[pl.ds(j * CHUNK, CHUNK)],
                        shared.at[idx_v.at[pl.ds(j * CHUNK, CHUNK)]],
                        add=True)
    plsc.subcore_barrier()

    @pl.when(sid == 0)
    def _():
        pltpu.sync_copy(shared, out_hbm.at[cid])


_sc_segsum = functools.partial(
    pl.kernel,
    mesh=plsc.VectorSubcoreMesh(core_axis_name="c", subcore_axis_name="s"),
    out_type=jax.ShapeDtypeStruct((2, NUM_GRAPHS, HIDDEN), jnp.float32),
    scratch_types=[
        pltpu.VMEM((ROWS_W,), jnp.int32),
        pltpu.VMEM((ROWS_W, HIDDEN), jnp.float32),
        pltpu.VMEM_SHARED((NUM_GRAPHS, HIDDEN), jnp.float32),
    ],
)(_sc_segsum_body)


def _mlp_kernel(seg2_ref, W1_ref, b1_ref, W2_ref, b2_ref, Wp1_ref, bp1_ref,
                Wp2_ref, bp2_ref, out_ref):
    seg = (seg2_ref[0] + seg2_ref[1]) * (1.0 / NUM_VIRTUAL)
    h = jnp.maximum(jnp.dot(seg, W1_ref[...]) + b1_ref[...], 0.0)
    gf = jnp.dot(h, W2_ref[...]) + b2_ref[...]
    p = jnp.maximum(jnp.dot(gf, Wp1_ref[...]) + bp1_ref[...], 0.0)
    out_ref[...] = jnp.dot(p, Wp2_ref[...]) + bp2_ref[...]


def kernel(x, edge_index, batch, W_enc, b_enc, W1, b1, W2, b2, Wp1, bp1,
           Wp2, bp2):
    del edge_index
    x_pad = jnp.zeros((N_PAD, HIDDEN), jnp.float32).at[:N_NODES].set(x)
    batch_pad = (jnp.full((N_PAD,), NUM_GRAPHS - 1, jnp.int32)
                 .at[:N_NODES].set(batch.astype(jnp.int32)))
    zeros = jnp.zeros((NUM_GRAPHS, HIDDEN), jnp.float32)

    vmem = pl.BlockSpec(memory_space=pltpu.MemorySpace.VMEM)
    nf = pl.pallas_call(
        _enc_kernel,
        in_specs=[vmem] * 3,
        out_specs=vmem,
        out_shape=jax.ShapeDtypeStruct((N_PAD, HIDDEN), jnp.float32),
    )(x_pad, W_enc, b_enc.reshape(1, HIDDEN))

    seg2 = _sc_segsum(nf, batch_pad, zeros)

    out = pl.pallas_call(
        _mlp_kernel,
        in_specs=[vmem] * 9,
        out_specs=vmem,
        out_shape=jax.ShapeDtypeStruct((NUM_GRAPHS, 1), jnp.float32),
    )(seg2, W1, b1.reshape(1, HIDDEN), W2, b2.reshape(1, HIDDEN),
      Wp1, bp1.reshape(1, HIDDEN), Wp2, bp2.reshape(1, 1))
    return out

# --- scband reference (transcript-rebuilt; emitter-appended) ---
"""Pipeline reference for scband-simple-hybrid-model-89876485636289 (READ-ONLY COPY).

The authoritative reference and input builder live on the scoring server;
editing this copy changes nothing except your own understanding.
"""

import jax, jax.numpy as jnp
import numpy as np

NUM_GRAPHS = 64
NUM_VIRTUAL = 4
INPUT_DIM = 128
HIDDEN = 128
OUTPUT_DIM = 1
N_NODES = 10000
N_EDGES = 320000


def setup_inputs(seed: int = 0) -> dict:
    key = jax.random.key(seed)
    ks = jax.random.split(key, 16)
    x = jax.random.normal(ks[0], (N_NODES, INPUT_DIM), dtype=jnp.float32)
    edge_index = jax.random.randint(ks[1], (2, N_EDGES), 0, N_NODES, dtype=jnp.int32)
    batch = jnp.sort(jax.random.randint(ks[2], (N_NODES,), 0, NUM_GRAPHS, dtype=jnp.int32))
    # learned parameters
    W_enc = jax.random.normal(ks[3], (INPUT_DIM, HIDDEN), dtype=jnp.float32) * 0.02
    b_enc = jnp.zeros((HIDDEN,), dtype=jnp.float32)
    W1 = jax.random.normal(ks[4], (HIDDEN, HIDDEN), dtype=jnp.float32) * 0.02
    b1 = jnp.zeros((HIDDEN,), dtype=jnp.float32)
    W2 = jax.random.normal(ks[5], (HIDDEN, HIDDEN), dtype=jnp.float32) * 0.02
    b2 = jnp.zeros((HIDDEN,), dtype=jnp.float32)
    Wp1 = jax.random.normal(ks[6], (HIDDEN, HIDDEN), dtype=jnp.float32) * 0.02
    bp1 = jnp.zeros((HIDDEN,), dtype=jnp.float32)
    Wp2 = jax.random.normal(ks[7], (HIDDEN, OUTPUT_DIM), dtype=jnp.float32) * 0.02
    bp2 = jnp.zeros((OUTPUT_DIM,), dtype=jnp.float32)
    return {"x": x, "edge_index": edge_index, "batch": batch,
            "W_enc": W_enc, "b_enc": b_enc, "W1": W1, "b1": b1,
            "W2": W2, "b2": b2, "Wp1": Wp1, "bp1": bp1,
            "Wp2": Wp2, "bp2": bp2}


def reference(x, edge_index, batch, W_enc, b_enc, W1, b1, W2, b2, Wp1, bp1, Wp2, bp2):
    # node encoder + relu
    node_features = jax.nn.relu(x @ W_enc + b_enc)
    # edge_init_type == 'uniform': per-graph weights are all 1/num_virtual_nodes,
    # so each virtual node aggregates segment_sum(node_features) / num_virtual_nodes.
    seg = jax.ops.segment_sum(node_features, batch, num_segments=NUM_GRAPHS)
    per_virtual = seg / NUM_VIRTUAL  # [G, H], identical for each of the V virtual nodes
    virtual_nodes = jnp.repeat(per_virtual, NUM_VIRTUAL, axis=0)  # [G*V, H]
    # virtual node MLP
    vn = jax.nn.relu(virtual_nodes @ W1 + b1) @ W2 + b2
    # per-graph mean over the V virtual nodes
    graph_features = vn.reshape(NUM_GRAPHS, NUM_VIRTUAL, HIDDEN).mean(axis=1)
    # prediction MLP
    predictions = jax.nn.relu(graph_features @ Wp1 + bp1) @ Wp2 + bp2
    return predictions

if __name__ == "__main__":
    import jax
    _d = setup_inputs()
    print(jax.jit(kernel)(*tuple(_d.values())))

</pallas_src>

<mosaic_0001>
#map = affine_map<(d0, d1) -> (0, 0)>
#map1 = affine_map<(d0, d1) -> (0)>
#map2 = affine_map<(d0, d1) -> (0, 0, 0)>
module attributes {stable_mosaic.version = 14 : i64} {
  func.func @_sc_segsum_body(%arg0: i32, %arg1: i32, %arg2: memref<10240x128xf32, #tpu.memory_space<hbm>>, %arg3: memref<10240xi32, #tpu.memory_space<hbm>>, %arg4: memref<64x128xf32, #tpu.memory_space<hbm>>, %arg5: memref<2x64x128xf32, #tpu.memory_space<hbm>>, %arg6: memref<320xi32, #tpu.memory_space<vmem>>, %arg7: memref<320x128xf32, #tpu.memory_space<vmem>>, %arg8: memref<64x128xf32, #tpu.memory_space<vmem_shared>>) attributes {dimension_semantics = [#tpu.dimension_semantics<core_parallel>, #tpu.dimension_semantics<subcore_parallel>], iteration_bounds = array<i64: 2, 16>, scalar_prefetch = 0 : i64, scratch_operands = 3 : i64, tpu.core_type = #tpu.core_type<sc_vector_subcore>, window_params = [{transform_indices = #map}, {transform_indices = #map1}, {transform_indices = #map}, {transform_indices = #map2}]} {
    %mul3A = arith.constant 2 : i32
    %mul3A_0 = arith.muli %arg1, %mul3A : i32
    %add3A = arith.addi %mul3A_0, %arg0 : i32
    %mul3A_1 = arith.constant 320 : i32
    %mul3A_2 = arith.muli %add3A, %mul3A_1 : i32
    "tpu.region"() ({
      %run_scoped3A = tpu.sem_alloc : memref<!tpu.dma_semaphore, #tpu.memory_space<semaphore_mem>>
      %dma_start3A = tpu.memref_slice %arg3[%mul3A_2] : memref<10240xi32, #tpu.memory_space<hbm>> -> memref<320xi32, #tpu.memory_space<hbm>>
      %dma_start3A_11 = tpu.memref_slice %arg3[%mul3A_2] : memref<10240xi32, #tpu.memory_space<hbm>> -> memref<320xi32, #tpu.memory_space<hbm>>
      tpu.enqueue_dma source(%dma_start3A_11 : memref<320xi32, #tpu.memory_space<hbm>>) target(%arg6 : memref<320xi32, #tpu.memory_space<vmem>>) target_semaphore(%run_scoped3A : memref<!tpu.dma_semaphore, #tpu.memory_space<semaphore_mem>>)
      %dma_wait3A = tpu.memref_slice %arg3[%mul3A_2] : memref<10240xi32, #tpu.memory_space<hbm>> -> memref<320xi32, #tpu.memory_space<hbm>>
      %dma_wait3A_12 = tpu.memref_slice %arg3[%mul3A_2] : memref<10240xi32, #tpu.memory_space<hbm>> -> memref<320xi32, #tpu.memory_space<hbm>>
      tpu.wait_dma2 semaphore(%run_scoped3A : memref<!tpu.dma_semaphore, #tpu.memory_space<semaphore_mem>>) src(%dma_wait3A_12 : memref<320xi32, #tpu.memory_space<hbm>>) dst(%arg6 : memref<320xi32, #tpu.memory_space<vmem>>)
      tpu.yield
    }) : () -> ()
    "tpu.region"() ({
      %run_scoped3A = tpu.sem_alloc : memref<!tpu.dma_semaphore, #tpu.memory_space<semaphore_mem>>
      %dma_start3A = arith.constant 0 : i32
      %dma_start3A_11 = tpu.memref_slice %arg2[%mul3A_2, %dma_start3A] : memref<10240x128xf32, #tpu.memory_space<hbm>> -> memref<320x128xf32, #tpu.memory_space<hbm>>
      %dma_start3A_12 = arith.constant 0 : i32
      %dma_start3A_13 = tpu.memref_slice %arg2[%mul3A_2, %dma_start3A_12] : memref<10240x128xf32, #tpu.memory_space<hbm>> -> memref<320x128xf32, #tpu.memory_space<hbm>>
      tpu.enqueue_dma source(%dma_start3A_13 : memref<320x128xf32, #tpu.memory_space<hbm>>) target(%arg7 : memref<320x128xf32, #tpu.memory_space<vmem>>) target_semaphore(%run_scoped3A : memref<!tpu.dma_semaphore, #tpu.memory_space<semaphore_mem>>)
      %dma_wait3A = arith.constant 0 : i32
      %dma_wait3A_14 = tpu.memref_slice %arg2[%mul3A_2, %dma_wait3A] : memref<10240x128xf32, #tpu.memory_space<hbm>> -> memref<320x128xf32, #tpu.memory_space<hbm>>
      %dma_wait3A_15 = arith.constant 0 : i32
      %dma_wait3A_16 = tpu.memref_slice %arg2[%mul3A_2, %dma_wait3A_15] : memref<10240x128xf32, #tpu.memory_space<hbm>> -> memref<320x128xf32, #tpu.memory_space<hbm>>
      tpu.wait_dma2 semaphore(%run_scoped3A : memref<!tpu.dma_semaphore, #tpu.memory_space<semaphore_mem>>) src(%dma_wait3A_16 : memref<320x128xf32, #tpu.memory_space<hbm>>) dst(%arg7 : memref<320x128xf32, #tpu.memory_space<vmem>>)
      tpu.yield
    }) : () -> ()
    %eq3A = arith.constant 0 : i32
    %eq3A_3 = arith.cmpi eq, %arg1, %eq3A : i32
    %convert_element_type3A = arith.extui %eq3A_3 : i1 to i32
    %cond3A = arith.constant 0 : i32
    %cond3A_4 = arith.cmpi ne, %convert_element_type3A, %cond3A : i32
    scf.if %cond3A_4 {
      "tpu.region"() ({
        %run_scoped3A = tpu.sem_alloc : memref<!tpu.dma_semaphore, #tpu.memory_space<semaphore_mem>>
        tpu.enqueue_dma source(%arg4 : memref<64x128xf32, #tpu.memory_space<hbm>>) target(%arg8 : memref<64x128xf32, #tpu.memory_space<vmem_shared>>) target_semaphore(%run_scoped3A : memref<!tpu.dma_semaphore, #tpu.memory_space<semaphore_mem>>)
        tpu.wait_dma2 semaphore(%run_scoped3A : memref<!tpu.dma_semaphore, #tpu.memory_space<semaphore_mem>>) src(%arg4 : memref<64x128xf32, #tpu.memory_space<hbm>>) dst(%arg8 : memref<64x128xf32, #tpu.memory_space<vmem_shared>>)
        tpu.yield
      }) : () -> ()
    } else {
    }
    %barrier3A = arith.constant 0 : index
    tpu.barrier barrier_id(%barrier3A)
    "tpu.region"() ({
      %run_scoped3A = tpu.sem_alloc : memref<!tpu.dma_semaphore, #tpu.memory_space<semaphore_mem>>
      %dma_start3A = arith.constant 0 : i32
      %dma_start3A_11 = arith.constant 0 : i32
      %dma_start3A_12 = tpu.memref_slice %arg7[%dma_start3A, %dma_start3A_11] : memref<320x128xf32, #tpu.memory_space<vmem>> -> memref<80x128xf32, #tpu.memory_space<vmem>>
      %dma_start3A_13 = arith.constant 0 : i32
      %dma_start3A_14 = tpu.memref_slice %arg6[%dma_start3A_13] : memref<320xi32, #tpu.memory_space<vmem>> -> memref<80xi32, #tpu.memory_space<vmem>>
      %dma_start3A_15 = arith.constant 0 : i32
      %dma_start3A_16 = arith.constant 0 : i32
      %dma_start3A_17 = tpu.memref_slice %arg8[%dma_start3A_15, %dma_start3A_16] : memref<64x128xf32, #tpu.memory_space<vmem_shared>> -> memref<64x128xf32, #tpu.memory_space<vmem_shared>>
      tpu.enqueue_indirect_dma source(%dma_start3A_12 : memref<80x128xf32, #tpu.memory_space<vmem>>) target(%dma_start3A_17 : memref<64x128xf32, #tpu.memory_space<vmem_shared>>) offsets(%dma_start3A_14 : memref<80xi32, #tpu.memory_space<vmem>>) semaphore(%run_scoped3A : memref<!tpu.dma_semaphore, #tpu.memory_space<semaphore_mem>>) {add = true}
      %dma_wait3A = arith.constant 0 : i32
      %dma_wait3A_18 = arith.constant 0 : i32
      %dma_wait3A_19 = tpu.memref_slice %arg7[%dma_wait3A, %dma_wait3A_18] : memref<320x128xf32, #tpu.memory_space<vmem>> -> memref<80x128xf32, #tpu.memory_space<vmem>>
      %dma_wait3A_20 = arith.constant 0 : i32
      %dma_wait3A_21 = tpu.memref_slice %arg6[%dma_wait3A_20] : memref<320xi32, #tpu.memory_space<vmem>> -> memref<80xi32, #tpu.memory_space<vmem>>
      %dma_wait3A_22 = arith.constant 0 : i32
      %dma_wait3A_23 = arith.constant 0 : i32
      %dma_wait3A_24 = tpu.memref_slice %arg8[%dma_wait3A_22, %dma_wait3A_23] : memref<64x128xf32, #tpu.memory_space<vmem_shared>> -> memref<64x128xf32, #tpu.memory_space<vmem_shared>>
      tpu.wait_indirect_dma semaphore(%run_scoped3A : memref<!tpu.dma_semaphore, #tpu.memory_space<semaphore_mem>>) src(%dma_wait3A_19 : memref<80x128xf32, #tpu.memory_space<vmem>>) dst(%dma_wait3A_24 : memref<64x128xf32, #tpu.memory_space<vmem_shared>>)
      tpu.yield
    }) : () -> ()
    "tpu.region"() ({
      %run_scoped3A = tpu.sem_alloc : memref<!tpu.dma_semaphore, #tpu.memory_space<semaphore_mem>>
      %dma_start3A = arith.constant 80 : i32
      %dma_start3A_11 = arith.constant 0 : i32
      %dma_start3A_12 = tpu.memref_slice %arg7[%dma_start3A, %dma_start3A_11] : memref<320x128xf32, #tpu.memory_space<vmem>> -> memref<80x128xf32, #tpu.memory_space<vmem>>
      %dma_start3A_13 = arith.constant 80 : i32
      %dma_start3A_14 = tpu.memref_slice %arg6[%dma_start3A_13] : memref<320xi32, #tpu.memory_space<vmem>> -> memref<80xi32, #tpu.memory_space<vmem>>
      %dma_start3A_15 = arith.constant 0 : i32
      %dma_start3A_16 = arith.constant 0 : i32
      %dma_start3A_17 = tpu.memref_slice %arg8[%dma_start3A_15, %dma_start3A_16] : memref<64x128xf32, #tpu.memory_space<vmem_shared>> -> memref<64x128xf32, #tpu.memory_space<vmem_shared>>
      tpu.enqueue_indirect_dma source(%dma_start3A_12 : memref<80x128xf32, #tpu.memory_space<vmem>>) target(%dma_start3A_17 : memref<64x128xf32, #tpu.memory_space<vmem_shared>>) offsets(%dma_start3A_14 : memref<80xi32, #tpu.memory_space<vmem>>) semaphore(%run_scoped3A : memref<!tpu.dma_semaphore, #tpu.memory_space<semaphore_mem>>) {add = true}
      %dma_wait3A = arith.constant 80 : i32
      %dma_wait3A_18 = arith.constant 0 : i32
      %dma_wait3A_19 = tpu.memref_slice %arg7[%dma_wait3A, %dma_wait3A_18] : memref<320x128xf32, #tpu.memory_space<vmem>> -> memref<80x128xf32, #tpu.memory_space<vmem>>
      %dma_wait3A_20 = arith.constant 80 : i32
      %dma_wait3A_21 = tpu.memref_slice %arg6[%dma_wait3A_20] : memref<320xi32, #tpu.memory_space<vmem>> -> memref<80xi32, #tpu.memory_space<vmem>>
      %dma_wait3A_22 = arith.constant 0 : i32
      %dma_wait3A_23 = arith.constant 0 : i32
      %dma_wait3A_24 = tpu.memref_slice %arg8[%dma_wait3A_22, %dma_wait3A_23] : memref<64x128xf32, #tpu.memory_space<vmem_shared>> -> memref<64x128xf32, #tpu.memory_space<vmem_shared>>
      tpu.wait_indirect_dma semaphore(%run_scoped3A : memref<!tpu.dma_semaphore, #tpu.memory_space<semaphore_mem>>) src(%dma_wait3A_19 : memref<80x128xf32, #tpu.memory_space<vmem>>) dst(%dma_wait3A_24 : memref<64x128xf32, #tpu.memory_space<vmem_shared>>)
      tpu.yield
    }) : () -> ()
    "tpu.region"() ({
      %run_scoped3A = tpu.sem_alloc : memref<!tpu.dma_semaphore, #tpu.memory_space<semaphore_mem>>
      %dma_start3A = arith.constant 160 : i32
      %dma_start3A_11 = arith.constant 0 : i32
      %dma_start3A_12 = tpu.memref_slice %arg7[%dma_start3A, %dma_start3A_11] : memref<320x128xf32, #tpu.memory_space<vmem>> -> memref<80x128xf32, #tpu.memory_space<vmem>>
      %dma_start3A_13 = arith.constant 160 : i32
      %dma_start3A_14 = tpu.memref_slice %arg6[%dma_start3A_13] : memref<320xi32, #tpu.memory_space<vmem>> -> memref<80xi32, #tpu.memory_space<vmem>>
      %dma_start3A_15 = arith.constant 0 : i32
      %dma_start3A_16 = arith.constant 0 : i32
      %dma_start3A_17 = tpu.memref_slice %arg8[%dma_start3A_15, %dma_start3A_16] : memref<64x128xf32, #tpu.memory_space<vmem_shared>> -> memref<64x128xf32, #tpu.memory_space<vmem_shared>>
      tpu.enqueue_indirect_dma source(%dma_start3A_12 : memref<80x128xf32, #tpu.memory_space<vmem>>) target(%dma_start3A_17 : memref<64x128xf32, #tpu.memory_space<vmem_shared>>) offsets(%dma_start3A_14 : memref<80xi32, #tpu.memory_space<vmem>>) semaphore(%run_scoped3A : memref<!tpu.dma_semaphore, #tpu.memory_space<semaphore_mem>>) {add = true}
      %dma_wait3A = arith.constant 160 : i32
      %dma_wait3A_18 = arith.constant 0 : i32
      %dma_wait3A_19 = tpu.memref_slice %arg7[%dma_wait3A, %dma_wait3A_18] : memref<320x128xf32, #tpu.memory_space<vmem>> -> memref<80x128xf32, #tpu.memory_space<vmem>>
      %dma_wait3A_20 = arith.constant 160 : i32
      %dma_wait3A_21 = tpu.memref_slice %arg6[%dma_wait3A_20] : memref<320xi32, #tpu.memory_space<vmem>> -> memref<80xi32, #tpu.memory_space<vmem>>
      %dma_wait3A_22 = arith.constant 0 : i32
      %dma_wait3A_23 = arith.constant 0 : i32
      %dma_wait3A_24 = tpu.memref_slice %arg8[%dma_wait3A_22, %dma_wait3A_23] : memref<64x128xf32, #tpu.memory_space<vmem_shared>> -> memref<64x128xf32, #tpu.memory_space<vmem_shared>>
      tpu.wait_indirect_dma semaphore(%run_scoped3A : memref<!tpu.dma_semaphore, #tpu.memory_space<semaphore_mem>>) src(%dma_wait3A_19 : memref<80x128xf32, #tpu.memory_space<vmem>>) dst(%dma_wait3A_24 : memref<64x128xf32, #tpu.memory_space<vmem_shared>>)
      tpu.yield
    }) : () -> ()
    "tpu.region"() ({
      %run_scoped3A = tpu.sem_alloc : memref<!tpu.dma_semaphore, #tpu.memory_space<semaphore_mem>>
      %dma_start3A = arith.constant 240 : i32
      %dma_start3A_11 = arith.constant 0 : i32
      %dma_start3A_12 = tpu.memref_slice %arg7[%dma_start3A, %dma_start3A_11] : memref<320x128xf32, #tpu.memory_space<vmem>> -> memref<80x128xf32, #tpu.memory_space<vmem>>
      %dma_start3A_13 = arith.constant 240 : i32
      %dma_start3A_14 = tpu.memref_slice %arg6[%dma_start3A_13] : memref<320xi32, #tpu.memory_space<vmem>> -> memref<80xi32, #tpu.memory_space<vmem>>
      %dma_start3A_15 = arith.constant 0 : i32
      %dma_start3A_16 = arith.constant 0 : i32
      %dma_start3A_17 = tpu.memref_slice %arg8[%dma_start3A_15, %dma_start3A_16] : memref<64x128xf32, #tpu.memory_space<vmem_shared>> -> memref<64x128xf32, #tpu.memory_space<vmem_shared>>
      tpu.enqueue_indirect_dma source(%dma_start3A_12 : memref<80x128xf32, #tpu.memory_space<vmem>>) target(%dma_start3A_17 : memref<64x128xf32, #tpu.memory_space<vmem_shared>>) offsets(%dma_start3A_14 : memref<80xi32, #tpu.memory_space<vmem>>) semaphore(%run_scoped3A : memref<!tpu.dma_semaphore, #tpu.memory_space<semaphore_mem>>) {add = true}
      %dma_wait3A = arith.constant 240 : i32
      %dma_wait3A_18 = arith.constant 0 : i32
      %dma_wait3A_19 = tpu.memref_slice %arg7[%dma_wait3A, %dma_wait3A_18] : memref<320x128xf32, #tpu.memory_space<vmem>> -> memref<80x128xf32, #tpu.memory_space<vmem>>
      %dma_wait3A_20 = arith.constant 240 : i32
      %dma_wait3A_21 = tpu.memref_slice %arg6[%dma_wait3A_20] : memref<320xi32, #tpu.memory_space<vmem>> -> memref<80xi32, #tpu.memory_space<vmem>>
      %dma_wait3A_22 = arith.constant 0 : i32
      %dma_wait3A_23 = arith.constant 0 : i32
      %dma_wait3A_24 = tpu.memref_slice %arg8[%dma_wait3A_22, %dma_wait3A_23] : memref<64x128xf32, #tpu.memory_space<vmem_shared>> -> memref<64x128xf32, #tpu.memory_space<vmem_shared>>
      tpu.wait_indirect_dma semaphore(%run_scoped3A : memref<!tpu.dma_semaphore, #tpu.memory_space<semaphore_mem>>) src(%dma_wait3A_19 : memref<80x128xf32, #tpu.memory_space<vmem>>) dst(%dma_wait3A_24 : memref<64x128xf32, #tpu.memory_space<vmem_shared>>)
      tpu.yield
    }) : () -> ()
    %barrier3A_5 = arith.constant 0 : index
    tpu.barrier barrier_id(%barrier3A_5)
    %eq3A_6 = arith.constant 0 : i32
    %eq3A_7 = arith.cmpi eq, %arg1, %eq3A_6 : i32
    %convert_element_type3A_8 = arith.extui %eq3A_7 : i1 to i32
    %cond3A_9 = arith.constant 0 : i32
    %cond3A_10 = arith.cmpi ne, %convert_element_type3A_8, %cond3A_9 : i32
    scf.if %cond3A_10 {
      "tpu.region"() ({
        %run_scoped3A = tpu.sem_alloc : memref<!tpu.dma_semaphore, #tpu.memory_space<semaphore_mem>>
        %dma_start3A = arith.constant 0 : i32
        %dma_start3A_11 = arith.constant 0 : i32
        %dma_start3A_12 = tpu.memref_slice %arg5[%arg0, %dma_start3A, %dma_start3A_11] : memref<2x64x128xf32, #tpu.memory_space<hbm>> -> memref<1x64x128xf32, #tpu.memory_space<hbm>>
        %dma_start3A_13 = tpu.memref_squeeze %dma_start3A_12 : memref<1x64x128xf32, #tpu.memory_space<hbm>> -> memref<64x128xf32, #tpu.memory_space<hbm>>
        tpu.enqueue_dma source(%arg8 : memref<64x128xf32, #tpu.memory_space<vmem_shared>>) target(%dma_start3A_13 : memref<64x128xf32, #tpu.memory_space<hbm>>) target_semaphore(%run_scoped3A : memref<!tpu.dma_semaphore, #tpu.memory_space<semaphore_mem>>)
        %dma_wait3A = arith.constant 0 : i32
        %dma_wait3A_14 = arith.constant 0 : i32
        %dma_wait3A_15 = tpu.memref_slice %arg5[%arg0, %dma_wait3A, %dma_wait3A_14] : memref<2x64x128xf32, #tpu.memory_space<hbm>> -> memref<1x64x128xf32, #tpu.memory_space<hbm>>
        %dma_wait3A_16 = tpu.memref_squeeze %dma_wait3A_15 : memref<1x64x128xf32, #tpu.memory_space<hbm>> -> memref<64x128xf32, #tpu.memory_space<hbm>>
        tpu.wait_dma2 semaphore(%run_scoped3A : memref<!tpu.dma_semaphore, #tpu.memory_space<semaphore_mem>>) src(%arg8 : memref<64x128xf32, #tpu.memory_space<vmem_shared>>) dst(%dma_wait3A_16 : memref<64x128xf32, #tpu.memory_space<hbm>>)
        tpu.yield
      }) : () -> ()
    } else {
    }
    return
  }
}

module attributes {stable_mosaic.version = 14 : i64} {
  func.func @_enc_kernel(%arg0: memref<10240x128xf32, #tpu.memory_space<vmem>>, %arg1: memref<128x128xf32, #tpu.memory_space<vmem>>, %arg2: memref<1x128xf32, #tpu.memory_space<vmem>>, %arg3: memref<10240x128xf32, #tpu.memory_space<vmem>>) attributes {dimension_semantics = [], scalar_prefetch = 0 : i64, scratch_operands = 0 : i64, tpu.core_type = #tpu.core_type<tc>} {
    %get3A = arith.constant 0 : index
    %get3A_0 = arith.constant 0 : index
    %get3A_1 = vector.load %arg0[%get3A, %get3A_0] : memref<10240x128xf32, #tpu.memory_space<vmem>>, vector<10240x128xf32>
    %get3A_2 = arith.constant 0 : index
    %get3A_3 = arith.constant 0 : index
    %get3A_4 = vector.load %arg1[%get3A_2, %get3A_3] : memref<128x128xf32, #tpu.memory_space<vmem>>, vector<128x128xf32>
    %dot_general3A = arith.constant dense<0.000000e+00> : vector<10240x128xf32>
    %dot_general3A_5 = tpu.matmul %get3A_1, %get3A_4, %dot_general3A {dimension_numbers = #tpu.dot_dimension_numbers<[1], [0], [0], [1], [0, 0, 1, 1], [], []>, transpose_lhs_hint = false} : vector<10240x128xf32>, vector<128x128xf32>, vector<10240x128xf32> -> vector<10240x128xf32>
    %get3A_6 = arith.constant 0 : index
    %get3A_7 = arith.constant 0 : index
    %get3A_8 = vector.load %arg2[%get3A_6, %get3A_7] : memref<1x128xf32, #tpu.memory_space<vmem>>, vector<1x128xf32>
    %add3A = vector.broadcast %get3A_8 : vector<1x128xf32> to vector<10240x128xf32>
    %add3A_9 = arith.addf %dot_general3A_5, %add3A : vector<10240x128xf32>
    %max3A = arith.constant 0.000000e+00 : f32
    %max3A_10 = vector.broadcast %max3A : f32 to vector<10240x128xf32>
    %max3A_11 = arith.maximumf %add3A_9, %max3A_10 : vector<10240x128xf32>
    %iota3A = tpu.iota {dimensions = array<i32: 0>} : vector<10240x1xi32>
    %lt3A = arith.constant 10000 : i32
    %lt3A_12 = vector.broadcast %lt3A : i32 to vector<10240x1xi32>
    %lt3A_13 = arith.cmpi slt, %iota3A, %lt3A_12 : vector<10240x1xi32>
    %jit3A = arith.constant 0.000000e+00 : f32
    %broadcast_in_dim3A = vector.shape_cast %lt3A_13 : vector<10240x1xi1> to vector<10240x1xi1>
    %broadcast_in_dim3A_14 = vector.broadcast %broadcast_in_dim3A : vector<10240x1xi1> to vector<10240x128xi1>
    %broadcast_in_dim3A_15 = vector.broadcast %jit3A : f32 to vector<10240x128xf32>
    %select_n3A = arith.select %broadcast_in_dim3A_14, %max3A_11, %broadcast_in_dim3A_15 : vector<10240x128xi1>, vector<10240x128xf32>
    %swap3A = arith.constant 0 : index
    %swap3A_16 = arith.constant 0 : index
    %swap3A_17 = vector.load %arg3[%swap3A, %swap3A_16] : memref<10240x128xf32, #tpu.memory_space<vmem>>, vector<10240x128xf32>
    tpu.vector_store %arg3[%swap3A, %swap3A_16], %select_n3A {strides = array<i32>} : memref<10240x128xf32, #tpu.memory_space<vmem>>, vector<10240x128xf32>,
    return
  }
}

module attributes {stable_mosaic.version = 14 : i64} {
  func.func @_mlp_kernel(%arg0: memref<2x64x128xf32, #tpu.memory_space<vmem>>, %arg1: memref<128x128xf32, #tpu.memory_space<vmem>>, %arg2: memref<1x128xf32, #tpu.memory_space<vmem>>, %arg3: memref<128x128xf32, #tpu.memory_space<vmem>>, %arg4: memref<1x128xf32, #tpu.memory_space<vmem>>, %arg5: memref<128x128xf32, #tpu.memory_space<vmem>>, %arg6: memref<1x128xf32, #tpu.memory_space<vmem>>, %arg7: memref<128x1xf32, #tpu.memory_space<vmem>>, %arg8: memref<1x1xf32, #tpu.memory_space<vmem>>, %arg9: memref<64x1xf32, #tpu.memory_space<vmem>>) attributes {dimension_semantics = [], scalar_prefetch = 0 : i64, scratch_operands = 0 : i64, tpu.core_type = #tpu.core_type<tc>} {
    %get3A = arith.constant 0 : index
    %get3A_0 = arith.constant 0 : index
    %get3A_1 = arith.constant 0 : index
    %get3A_2 = vector.load %arg0[%get3A, %get3A_0, %get3A_1] : memref<2x64x128xf32, #tpu.memory_space<vmem>>, vector<1x64x128xf32>
    %get3A_3 = vector.shape_cast %get3A_2 : vector<1x64x128xf32> to vector<64x128xf32>
    %get3A_4 = arith.constant 1 : index
    %get3A_5 = arith.constant 0 : index
    %get3A_6 = arith.constant 0 : index
    %get3A_7 = vector.load %arg0[%get3A_4, %get3A_5, %get3A_6] : memref<2x64x128xf32, #tpu.memory_space<vmem>>, vector<1x64x128xf32>
    %get3A_8 = vector.shape_cast %get3A_7 : vector<1x64x128xf32> to vector<64x128xf32>
    %add3A = arith.addf %get3A_3, %get3A_8 : vector<64x128xf32>
    %mul3A = arith.constant 2.500000e-01 : f32
    %mul3A_9 = vector.broadcast %mul3A : f32 to vector<64x128xf32>
    %mul3A_10 = arith.mulf %add3A, %mul3A_9 : vector<64x128xf32>
    %get3A_11 = arith.constant 0 : index
    %get3A_12 = arith.constant 0 : index
    %get3A_13 = vector.load %arg1[%get3A_11, %get3A_12] : memref<128x128xf32, #tpu.memory_space<vmem>>, vector<128x128xf32>
    %dot_general3A = arith.constant dense<0.000000e+00> : vector<64x128xf32>
    %dot_general3A_14 = tpu.matmul %mul3A_10, %get3A_13, %dot_general3A {dimension_numbers = #tpu.dot_dimension_numbers<[1], [0], [0], [1], [0, 0, 1, 1], [], []>, transpose_lhs_hint = false} : vector<64x128xf32>, vector<128x128xf32>, vector<64x128xf32> -> vector<64x128xf32>
    %get3A_15 = arith.constant 0 : index
    %get3A_16 = arith.constant 0 : index
    %get3A_17 = vector.load %arg2[%get3A_15, %get3A_16] : memref<1x128xf32, #tpu.memory_space<vmem>>, vector<1x128xf32>
    %add3A_18 = vector.broadcast %get3A_17 : vector<1x128xf32> to vector<64x128xf32>
    %add3A_19 = arith.addf %dot_general3A_14, %add3A_18 : vector<64x128xf32>
    %max3A = arith.constant 0.000000e+00 : f32
    %max3A_20 = vector.broadcast %max3A : f32 to vector<64x128xf32>
    %max3A_21 = arith.maximumf %add3A_19, %max3A_20 : vector<64x128xf32>
    %get3A_22 = arith.constant 0 : index
    %get3A_23 = arith.constant 0 : index
    %get3A_24 = vector.load %arg3[%get3A_22, %get3A_23] : memref<128x128xf32, #tpu.memory_space<vmem>>, vector<128x128xf32>
    %dot_general3A_25 = arith.constant dense<0.000000e+00> : vector<64x128xf32>
    %dot_general3A_26 = tpu.matmul %max3A_21, %get3A_24, %dot_general3A_25 {dimension_numbers = #tpu.dot_dimension_numbers<[1], [0], [0], [1], [0, 0, 1, 1], [], []>, transpose_lhs_hint = false} : vector<64x128xf32>, vector<128x128xf32>, vector<64x128xf32> -> vector<64x128xf32>
    %get3A_27 = arith.constant 0 : index
    %get3A_28 = arith.constant 0 : index
    %get3A_29 = vector.load %arg4[%get3A_27, %get3A_28] : memref<1x128xf32, #tpu.memory_space<vmem>>, vector<1x128xf32>
    %add3A_30 = vector.broadcast %get3A_29 : vector<1x128xf32> to vector<64x128xf32>
    %add3A_31 = arith.addf %dot_general3A_26, %add3A_30 : vector<64x128xf32>
    %get3A_32 = arith.constant 0 : index
    %get3A_33 = arith.constant 0 : index
    %get3A_34 = vector.load %arg5[%get3A_32, %get3A_33] : memref<128x128xf32, #tpu.memory_space<vmem>>, vector<128x128xf32>
    %dot_general3A_35 = arith.constant dense<0.000000e+00> : vector<64x128xf32>
    %dot_general3A_36 = tpu.matmul %add3A_31, %get3A_34, %dot_general3A_35 {dimension_numbers = #tpu.dot_dimension_numbers<[1], [0], [0], [1], [0, 0, 1, 1], [], []>, transpose_lhs_hint = false} : vector<64x128xf32>, vector<128x128xf32>, vector<64x128xf32> -> vector<64x128xf32>
    %get3A_37 = arith.constant 0 : index
    %get3A_38 = arith.constant 0 : index
    %get3A_39 = vector.load %arg6[%get3A_37, %get3A_38] : memref<1x128xf32, #tpu.memory_space<vmem>>, vector<1x128xf32>
    %add3A_40 = vector.broadcast %get3A_39 : vector<1x128xf32> to vector<64x128xf32>
    %add3A_41 = arith.addf %dot_general3A_36, %add3A_40 : vector<64x128xf32>
    %max3A_42 = arith.constant 0.000000e+00 : f32
    %max3A_43 = vector.broadcast %max3A_42 : f32 to vector<64x128xf32>
    %max3A_44 = arith.maximumf %add3A_41, %max3A_43 : vector<64x128xf32>
    %get3A_45 = arith.constant 0 : index
    %get3A_46 = arith.constant 0 : index
    %get3A_47 = vector.load %arg7[%get3A_45, %get3A_46] : memref<128x1xf32, #tpu.memory_space<vmem>>, vector<128x1xf32>
    %dot_general3A_48 = arith.constant dense<0.000000e+00> : vector<64x1xf32>
    %dot_general3A_49 = tpu.matmul %max3A_44, %get3A_47, %dot_general3A_48 {dimension_numbers = #tpu.dot_dimension_numbers<[1], [0], [0], [1], [0, 0, 1, 1], [], []>, transpose_lhs_hint = false} : vector<64x128xf32>, vector<128x1xf32>, vector<64x1xf32> -> vector<64x1xf32>
    %get3A_50 = arith.constant 0 : index
    %get3A_51 = arith.constant 0 : index
    %get3A_52 = vector.load %arg8[%get3A_50, %get3A_51] : memref<1x1xf32, #tpu.memory_space<vmem>>, vector<1x1xf32>
    %add3A_53 = vector.broadcast %get3A_52 : vector<1x1xf32> to vector<64x1xf32>
    %add3A_54 = arith.addf %dot_general3A_49, %add3A_53 : vector<64x1xf32>
    %swap3A = arith.constant 0 : index
    %swap3A_55 = arith.constant 0 : index
    %swap3A_56 = vector.load %arg9[%swap3A, %swap3A_55] : memref<64x1xf32, #tpu.memory_space<vmem>>, vector<64x1xf32>
    tpu.vector_store %arg9[%swap3A, %swap3A_55], %add3A_54 {strides = array<i32>} : memref<64x1xf32, #tpu.memory_space<vmem>>, vector<64x1xf32>,
    return
  }
}

</mosaic_0001>

<sc_bundles>
// kernel: kernel.5.cloned.1.call-start
scs
__scs_entry_jumppad:
0x0: {  	(pc) =	sbr.rel $0x88, $3  }
0x1: {  	(tag) =	ssettag $0x0;
	lr =	simm.s32 $0x1  }
0x2: {  	[smem:$0x3F95] =	sst lr;
	_ =	strace $0xD0000000  }
0x3: {  	_ = 	snop  }
0x4: {  	_ = 	snop  }
0x5: {  	_ = 	snop  }
0x6: {  	_ = 	snop  }
0x7: {  	_ = 	snop  }
__scs_overlays_trampoline_lowered:
0x8: {  	[smem:$0x3FA4] =	sst s0  }
0x9: {  	[smem:$0x3FA5] =	sst s1  }
0xa: {  	[smem:$0x3FA6] =	sst s2  }
0xb: {  	[smem:$0x3FA7] =	sst s3  }
0xc: {  	[smem:$0x3FA8] =	sst s4  }
0xd: {  	[smem:$0x3FA9] =	sst s5  }
0xe: {  	[smem:$0x3FAA] =	sst s6  }
0xf: {  	[smem:$0x3FAB] =	sst s7  }
0x10: {  	[smem:$0x3FAC] =	sst s8  }
0x11: {  	[smem:$0x3FAD] =	sst s9;
	s0 =	simm.s32 @!p0 $0x0  }
0x12: {  	s1 =	sld [smem:$0x3F93];
	s0 =	simm.s32 @p0 $0x1  }
0x13: {  	[smem:$0x3FAE] =	sst s0;
	s0 =	simm.s32 @!p1 $0x0  }
0x14: {  	s2 =	sld [smem:$0x3F92];
	s0 =	simm.s32 @p1 $0x1  }
0x15: {  	[smem:$0x3FAF] =	sst s0;
	s0 =	simm.s32 @!p2 $0x0  }
0x16: {  	s3 =	sld [smem:$0x3FDB];
	s0 =	simm.s32 @p2 $0x1  }
0x17: {  	s4 =	simm.s32 $0x1BF5;
	[smem:$0x3FB1] =	sst s0  }
0x18: {  	s0 =	sld [smem:$0x3F94];
	_ =	swait.ge [sflag:s4], $0x0  }
0x19: {  	s7 =	sld [smem:$0x3F95]  }
0x1a: {  	s8 =	sadd.s32 $0xFFFFE003, lr  }
0x1b: {  	s9 =	sadd.s32 $0xFFFFFEF7, lr;
	s5 =	simm.s32 $0xFFFFFFFF;
	p2 =	slt.u32 s8, $0xFFFFF086  }
0x1c: {  	p1 =	slt.u32 s9, $0xF7A;
	s5 =	simm.s32 @!p2 $0x0  }
0x1d: {  	s5 =	simm.s32 @p1 $0x1;
	p0 =	seq.s32 s7, s2  }
0x1e: {  	s7 =	smul.u32 @!p0 $0xF7A, s2;
	p2 =	seq.s32 @!p0 s5, $0x0  }
0x1f: {  	s9 =	smul.u32 $0xF7A, s1;
	s8 =	simm.s32 @!p0 $0x1BF5;
	p2 =	por !p2, p0  }
0x20: {  	[sflag:s8] =	ssyncset.s32 @!p0 $0xFFFFF086;
	s6 =	sadd.s32 @!p0 s3, s7;
	s7 =	simm.s32 @!p0 $0x108  }
0x21: {  	s3 =	sadd.s32 s3, s9;
	s6 =	sadd.s32 @!p0 $0x88, s6;
	s7 =	simm.s32 @p2 $0x1082  }
0x22: {  	[simem:s7], [sflag:s8] =	dma.local @!p0 [hbm:s6], $0xF7A  }
0x23: {  	s9 =	sor.u32 $0xD0000000, s2;
	s6 =	simm.s32 $0x108;
	_ =	swait.ge @!p0 [sflag:s8], $0x0  }
0x24: {  	s3 =	sadd.s32 $0x88, s3;
	s6 =	simm.s32 @!p1 $0x1082;
	[sflag:s4] =	ssyncset.s32 $0xFFFFF086  }
0x25: {  	[simem:s6], [sflag:s4] =	dma.local [hbm:s3], $0xF7A  }
0x26: {  	[smem:$0x3F95] =	sst s1;
	(tag) =	ssettag s2;
	_ =	strace s9  }
0x27: {  	s1 =	sld [smem:$0x3FA5]  }
0x28: {  	s2 =	sld [smem:$0x3FA6]  }
0x29: {  	s4 =	sld [smem:$0x3FA8]  }
0x2a: {  	p0 =	seq.s32 s5, $0x0;
	s5 =	sld [smem:$0x3FA9]  }
0x2b: {  	s6 =	sld [smem:$0x3FAA]  }
0x2c: {  	s7 =	sld [smem:$0x3FAB]  }
0x2d: {  	s3 =	simm.s32 $0x108;
	s8 =	sld [smem:$0x3FAC]  }
0x2e: {  	s3 =	simm.s32 @!p0 $0x1082;
	s9 =	sld [smem:$0x3FAD]  }
0x2f: {  	lr =	sadd.s32 s0, s3;
	s0 =	sld [smem:$0x3FA4]  }
0x30: {  	s3 =	sld [smem:$0x3FA7]  }
0x31: {  	[smem:$0x3FB0] =	sst s10  }
0x32: {  	s10 =	sld [smem:$0x3FAE];
	_ =	sdelay $0x3  }
0x33: {  	p0 =	seq.s32 s10, $0x1;
	s10 =	sld [smem:$0x3FB0];
	_ =	sdelay $0x3  }
0x34: {  	[smem:$0x3FB0] =	sst s10  }
0x35: {  	s10 =	sld [smem:$0x3FAF];
	_ =	sdelay $0x3  }
0x36: {  	p1 =	seq.s32 s10, $0x1;
	s10 =	sld [smem:$0x3FB0];
	_ =	sdelay $0x3  }
0x37: {  	[smem:$0x3FB0] =	sst s10  }
0x38: {  	s10 =	sld [smem:$0x3FB1]  }
0x39: {  	_ = 	snop;
	(pc) =	sbr.ind lr, $3  }
0x3a: {  	_ = 	snop  }
0x3b: {  	_ = 	snop  }
0x3c: {  	p2 =	seq.s32 s10, $0x1;
	s10 =	sld [smem:$0x3FB0]  }
0x3d: {  	_ =	shalt  }
0x3e: {  	_ =	shalt  }
0x3f: {  	_ =	shalt  }
0x40: {  	_ =	shalt  }
0x41: {  	_ =	shalt  }
0x42: {  	_ =	shalt  }
0x43: {  	_ =	shalt  }
0x44: {  	_ =	shalt  }
0x45: {  	_ =	shalt  }
0x46: {  	_ =	shalt  }
0x47: {  	_ =	shalt  }
0x48: {  	_ =	shalt  }
0x49: {  	_ =	shalt  }
0x4a: {  	_ =	shalt  }
0x4b: {  	_ =	shalt  }
0x4c: {  	_ =	shalt  }
0x4d: {  	_ =	shalt  }
0x4e: {  	_ =	shalt  }
0x4f: {  	_ =	shalt  }
0x50: {  	_ =	shalt  }
0x51: {  	_ =	shalt  }
0x52: {  	_ =	shalt  }
0x53: {  	_ =	shalt  }
0x54: {  	_ =	shalt  }
0x55: {  	_ =	shalt  }
0x56: {  	_ =	shalt  }
0x57: {  	_ =	shalt  }
0x58: {  	_ =	shalt  }
0x59: {  	_ =	shalt  }
0x5a: {  	_ =	shalt  }
0x5b: {  	_ =	shalt  }
0x5c: {  	_ =	shalt  }
0x5d: {  	_ =	shalt  }
0x5e: {  	_ =	shalt  }
0x5f: {  	_ =	shalt  }
0x60: {  	_ =	shalt  }
0x61: {  	_ =	shalt  }
0x62: {  	_ =	shalt  }
0x63: {  	_ =	shalt  }
0x64: {  	_ =	shalt  }
0x65: {  	_ =	shalt  }
0x66: {  	_ =	shalt  }
0x67: {  	_ =	shalt  }
0x68: {  	_ =	shalt  }
0x69: {  	_ =	shalt  }
0x6a: {  	_ =	shalt  }
0x6b: {  	_ =	shalt  }
0x6c: {  	_ =	shalt  }
0x6d: {  	_ =	shalt  }
0x6e: {  	_ =	shalt  }
0x6f: {  	_ =	shalt  }
0x70: {  	_ =	shalt  }
0x71: {  	_ =	shalt  }
0x72: {  	_ =	shalt  }
0x73: {  	_ =	shalt  }
0x74: {  	_ =	shalt  }
0x75: {  	_ =	shalt  }
0x76: {  	_ =	shalt  }
0x77: {  	_ =	shalt  }
0x78: {  	_ =	shalt  }
0x79: {  	_ =	shalt  }
0x7a: {  	_ =	shalt  }
0x7b: {  	_ =	shalt  }
0x7c: {  	_ =	shalt  }
0x7d: {  	_ =	shalt  }
0x7e: {  	_ =	shalt  }
0x7f: {  	_ =	shalt  }
0x80: {  	_ =	shalt  }
0x81: {  	_ =	shalt  }
0x82: {  	_ =	shalt  }
0x83: {  	_ =	shalt  }
0x84: {  	_ =	shalt  }
0x85: {  	_ =	shalt  }
0x86: {  	_ =	shalt  }
0x87: {  	_ =	shalt  }
.Lfunc_end0:
.L_simem_size_0:
called_computation_lowered:
.L_overlay_start_0:
0x88: {  	s2 =	sld [smem:$0x3FD9]  }
0x89: {  	s3 =	sld [smem:$0x3FFE];
	_ =	sdelay $0x1  }
0x8a: {  	s1 =	srdreg.scid  }
0x8b: {  	s0 =	sand.u32 $0x1, s1  }
0x8c: {  	s16 =	sshll.u32 s0, $0xA;
	s2 =	sadd.s32 s3, s2  }
0x8d: {  	s2 =	sadd.s32 s2, s16  }
0x8e: {  	[smem:$0x3FBC] =	sst s2  }
0x8f: {  	_ = 	snop  }
0x90: {  	(tm) =	ssettm $0x1  }
0x91: {  	s17 =	sld [smem:$0x3FFB];
	_ =	sdelay $0x3  }
0x92: {  	_ =	strace s17  }
0x93: {  	s2 =	sld [smem:$0x3FFC];
	_ =	sdelay $0x3  }
0x94: {  	_ =	strace s2  }
0x95: {  	s2 =	sld [smem:$0x3FFD];
	_ =	sdelay $0x3  }
0x96: {  	_ =	strace s2  }
0x97: {  	_ =	strace $0x8FFFFFFF  }
0x98: {  	s18 =	sld [smem:$0x3FDB];
	_ =	sdelay $0x1  }
0x99: {  	s19 =	simm.s32 $_scs_section_size  }
0x9a: {  	s4 =	simm.s32 $_size__tile_overlayer_lowered;
	s5 =	simm.s32 $_tile_overlayer_lowered  }
0x9b: {  	s22 =	simm.s32 $0x1BFF;
	s21 =	sshll.u32 s5, $0x1;
	s2 =	sadd.s32 s19, s18  }
0x9c: {  	s6 =	simm.s32 $0x0;
	s20 =	sshll.u32 s4, $0x1;
	s4 =	sadd.s32 s21, s2  }
0x9d: {  	[timem:s6], [sflag:s22] =	dma.local [hbm:s4], s20  }
0x9e: {  	_ =	swait.ge [sflag:s22], s20  }
0x9f: {  	s3 =	ssub.s32 $0x0, s20;
	[sflag:s22] =	ssyncset.done $0x0  }
0xa0: {  	[sflag:s22] =	ssyncadd.s32 s3;
	_ =	sdelay $0x1  }
0xa1: {  	s23 =	simm.s32 $0x1B8B  }
0xa2: {  	_ =	swait.ge [sflag:s23], $0x1  }
0xa3: {  	[sflag:s23] =	ssyncset.done $0x0  }
0xa4: {  	s25 =	simm.s32 $0x1B8E;
	s24 =	sld [smem:$0x3FFE];
	[sflag:s23] =	ssyncadd.s32 $0xFFFFFFFF  }
0xa5: {  	s26 =	simm.s32 $execute0_lowered;
	[smem:$0x3FD2] =	sst s25  }
0xa6: {  	s4 =	sshll.u32 s26, $0x1;
	_ =	strace $0x80000046;
	[dreg:$0x1] =	wrdreg $0xFFFFFFFF  }
0xa7: {  	s28 =	simm.s32 $_size_execute0_lowered;
	s2 =	sadd.s32 s2, s4;
	[dreg:$0x0] =	wrdreg $0x0  }
0xa8: {  	s4 =	sshll.u32 s28, $0x1;
	[dreg:$0x2] =	wrdreg s2  }
0xa9: {  	[dreg:$0x3] =	wrdreg s4  }
0xaa: {  	[dreg:$0x4] =	wrdreg $0xC0  }
0xab: {  	_ =	task [dreg:s6], $0x5FFFF  }
0xac: {  	[dreg:$0x1] =	wrdreg $0xFFFFFFFF  }
0xad: {  	[dreg:$0x0] =	wrdreg $0x60  }
0xae: {  	[dreg:$0x2] =	wrdreg s24  }
0xaf: {  	[dreg:$0x3] =	wrdreg $0xA1800  }
0xb0: {  	[dreg:$0x4] =	wrdreg $0x9  }
0xb1: {  	_ =	task.clear_ibuf [dreg:s6], $0x5FFFF;
	_ =	strace $0x90000046  }
0xb2: {  	s29 =	simm.s32 $0x9;
	_ =	strace $0x80000048  }
0xb3: {  	_ =	swait.ge [sflag:s29], $0x1  }
0xb4: {  	[sflag:s29] =	ssyncadd.s32 $0xFFFFFFFF  }
0xb5: {  	_ =	strace $0x90000048  }
0xb6: {  	_ =	sfence  }
0xb7: {  	s30 =	sld [smem:$0x0];
	_ =	sdelay $0x2  }
0xb8: {  	s31 =	sshll.u32 s1, $0xD;
	s1 =	sshrl.u32 s1, $0x2  }
0xb9: {  	s3 =	sand.u32 $0x4000, s31;
	s1 =	sadd.s32 s1, s30  }
0xba: {  	s0 =	sor.u32 s3, s0;
	s1 =	sshll.u32 s1, $0x11  }
0xbb: {  	s0 =	sor.u32 s1, s0  }
0xbc: {  	s0 =	sadd.s32 $0x8F2B, s0  }
0xbd: {  	[sflag:s0] =	ssyncadd.remote.s32 $0x1  }
0xbe: {  	_ =	sfence.sel $0xFFFF  }
0xbf: {  	[dreg:$0x0] =	wrdreg $0xFFFFFFFF;
	(pc) =	sbr.abs _section_cstart, $3  }
0xc0: {  	[dreg:$0x1] =	wrdreg $0xFFFFFFFF  }
0xc1: {  	_ =	task.clear_ibuf [dreg:s6], $0x2FFFF;
	_ =	strace $0x9FFFFFFF  }
0xc2: {  	(tm) =	ssettm $0x7FFFFFFF  }
0xc3: {  	_ =	shalt  }
tec
execute0_lowered:
.L_overlay_start_1:
0x0: {  	(tag) =	ssettag $0x1  }
0x1: {  	s0 =	srdreg.scid;
	s7 =	stileid.u32  }
0x2: {  	s18 =	sand.u32 $0x1, s0;
	s30 =	sshll.u32 s7, $0x1  }
0x3: {  	s17 =	rddreg [dreg:$0x0];
	s3 =	sor.u32 s18, s30  }
0x4: {  	s1 =	rddreg [dreg:$0x1];
	s2 =	simm.s32 $0x0;
	s4 =	smul.u32 $0x28, s3  }
0x5: {  	[smem:$0x7FF] =	sst s2  }
0x6: {  	s0 =	rddreg [dreg:$0x2];
	_ =	strace $0x80000047;
	s4 =	sadd.s32 s4, s17  }
0x7: {  	s5 =	smul.u32 $0x1400, s3;
	s3 =	sadd.s32 $0x1C00, s4;
	s4 =	simm.s32 $0x1  }
0x8: {  	[tilespmem:s2], [sflag:$0x1] =	stream.linear.gather [hbm4b:s3+s2], $0x140, $0x38;
	[tilespmem:$0xA380] =	vst v63  }
0x9: {  	_ =	swait.ge [sflag:s4], $0x140  }
0xa: {  	s5 =	sadd.s32 s5, s17;
	[sflag:s4] =	ssyncset.done $0x0  }
0xb: {  	s6 =	simm.s32 $0x180;
	s5 =	sadd.s32 $0x2200, s5;
	[sflag:s4] =	ssyncadd.s32 $0xFFFFFEC0  }
0xc: {  	[tilespmem:s6], [sflag:$0x1] =	stream.linear.gather [hbm4b:s5+s2], $0xA000, $0x38;
	[tilespmem:$0xA380] =	vst v63  }
0xd: {  	p0 =	sne.s32 s7, $0x0;
	_ =	swait.ge [sflag:s4], $0xA000  }
0xe: {  	s7 =	sadd.s32 $0x2A200, s17;
	s9 =	sshrl.u32 @!p0 s1, $0x3;
	[sflag:s4] =	ssyncset.done $0x0  }
0xf: {  	s10 =	simm.s32 @!p0 $0x1C01;
	s8 =	simm.s32 @!p0 $0x1;
	[sflag:s4] =	ssyncadd.s32 $0xFFFF6000  }
0x10: {  	[spmem:s9], [sflag:s10] =	dma.local @!p0 [hbm:s7], $0x400  }
0x11: {  	_ =	swait.ge @!p0 [sflag:s8], $0x400  }
0x12: {  	[sflag:s8] =	ssyncset.done @!p0 $0x0  }
0x13: {  	[sflag:s8] =	ssyncadd.s32 @!p0 $0xFFFFFC00  }
0x14: {  	s11 =	simm.s32 $0x50;
	[bflag:$0x0] =	sbarrier.arrive $0xFFFF  }
0x15: {  	[spmem:s1] =	stream.indirect.scatter.add.f32 [tilespmem:s6], [sflag:$0x1], $0x80, s2, s11, $0xb8;
	[tilespmem:$0xA380] =	vst v63  }
0x16: {  	_ =	swait.ge [sflag:s4], $0x2800  }
0x17: {  	[sflag:s4] =	ssyncset.done $0x0  }
0x18: {  	s12 =	simm.s32 $0x2980;
	[sflag:s4] =	ssyncadd.s32 $0xFFFFD800  }
0x19: {  	[spmem:s1] =	stream.indirect.scatter.add.f32 [tilespmem:s12], [sflag:$0x1], $0x80, s11, s11, $0xb8;
	[tilespmem:$0xA380] =	vst v63  }
0x1a: {  	_ =	swait.ge [sflag:s4], $0x2800  }
0x1b: {  	s13 =	simm.s32 $0xA0;
	[sflag:s4] =	ssyncset.done $0x0  }
0x1c: {  	s14 =	simm.s32 $0x5180;
	s19 =	ssub.s32 $0x2, s18;
	[sflag:s4] =	ssyncadd.s32 $0xFFFFD800  }
0x1d: {  	[spmem:s1] =	stream.indirect.scatter.add.f32 [tilespmem:s14], [sflag:$0x1], $0x80, s13, s11, $0xb8;
	[tilespmem:$0xA380] =	vst v63  }
0x1e: {  	s15 =	simm.s32 $0xF0;
	s20 =	sshrl.u32 s19, $0x1;
	_ =	swait.ge [sflag:s4], $0x2800  }
0x1f: {  	s16 =	simm.s32 $0x7980;
	s19 =	ssub.s32 s19, s20;
	[sflag:s4] =	ssyncset.done $0x0  }
0x20: {  	s18 =	sshll.u32 s18, $0xA;
	s31 =	smax.u32 s19, $0x1;
	[sflag:s4] =	ssyncadd.s32 $0xFFFFD800  }
0x21: {  	[spmem:s1] =	stream.indirect.scatter.add.f32 [tilespmem:s16], [sflag:$0x1], $0x80, s15, s11, $0xb8;
	[tilespmem:$0xA380] =	vst v63  }
0x22: {  	s17 =	sadd.s32 s18, s17;
	s18 =	sadd.s32 $0xFFFFFFFF, s31;
	_ =	swait.ge [sflag:s4], $0x2800  }
0x23: {  	p1 =	sne.s32 s18, $0x0;
	[sflag:s4] =	ssyncset.done $0x0  }
.Ltmp0:
0x24: {  	[sflag:s4] =	ssyncadd.s32 $0xFFFFD800;
	(pc) =	sbr.rel @!p1 .LBB2_2-.Ltmp0, $4  }
0x25: {  	s17 =	sadd.s32 $0x2A600, s17;
	[bflag:$0x0] =	sbarrier.arrive $0xFFFF  }
0x26: {  	[hbm:s17], [sflag:s10] =	dma.local @!p0 [spmem:s9], $0x400  }
0x27: {  	_ =	swait.ge @!p0 [sflag:s8], $0x400  }
0x28: {  	[sflag:s8] =	ssyncset.done @!p0 $0x0  }
.LBB2_1:
0x29: {  	s18 =	sadd.s32 $0xFFFFFFFF, s18;
	[sflag:s8] =	ssyncadd.s32 @!p0 $0xFFFFFC00  }
0x2a: {  	[tilespmem:s2], [sflag:$0x1] =	stream.linear.gather [hbm4b:s3+s2], $0x140, $0x38;
	[tilespmem:$0xA380] =	vst v63  }
0x2b: {  	p1 =	sne.s32 s18, $0x0;
	_ =	swait.ge [sflag:s4], $0x140  }
0x2c: {  	[sflag:s4] =	ssyncset.done $0x0  }
0x2d: {  	[sflag:s4] =	ssyncadd.s32 $0xFFFFFEC0  }
0x2e: {  	[tilespmem:s6], [sflag:$0x1] =	stream.linear.gather [hbm4b:s5+s2], $0xA000, $0x38;
	[tilespmem:$0xA380] =	vst v63  }
0x2f: {  	_ =	swait.ge [sflag:s4], $0xA000  }
0x30: {  	[sflag:s4] =	ssyncset.done $0x0  }
0x31: {  	[sflag:s4] =	ssyncadd.s32 $0xFFFF6000  }
0x32: {  	[spmem:s9], [sflag:s10] =	dma.local @!p0 [hbm:s7], $0x400  }
0x33: {  	_ =	swait.ge @!p0 [sflag:s8], $0x400  }
0x34: {  	[sflag:s8] =	ssyncset.done @!p0 $0x0  }
0x35: {  	[sflag:s8] =	ssyncadd.s32 @!p0 $0xFFFFFC00  }
0x36: {  	[bflag:$0x0] =	sbarrier.arrive $0xFFFF  }
0x37: {  	[spmem:s1] =	stream.indirect.scatter.add.f32 [tilespmem:s6], [sflag:$0x1], $0x80, s2, s11, $0xb8;
	[tilespmem:$0xA380] =	vst v63  }
0x38: {  	_ =	swait.ge [sflag:s4], $0x2800  }
0x39: {  	[sflag:s4] =	ssyncset.done $0x0  }
0x3a: {  	[sflag:s4] =	ssyncadd.s32 $0xFFFFD800  }
0x3b: {  	[spmem:s1] =	stream.indirect.scatter.add.f32 [tilespmem:s12], [sflag:$0x1], $0x80, s11, s11, $0xb8;
	[tilespmem:$0xA380] =	vst v63  }
0x3c: {  	_ =	swait.ge [sflag:s4], $0x2800  }
0x3d: {  	[sflag:s4] =	ssyncset.done $0x0  }
0x3e: {  	[sflag:s4] =	ssyncadd.s32 $0xFFFFD800  }
0x3f: {  	[spmem:s1] =	stream.indirect.scatter.add.f32 [tilespmem:s14], [sflag:$0x1], $0x80, s13, s11, $0xb8;
	[tilespmem:$0xA380] =	vst v63  }
0x40: {  	_ =	swait.ge [sflag:s4], $0x2800  }
0x41: {  	[sflag:s4] =	ssyncset.done $0x0  }
0x42: {  	[sflag:s4] =	ssyncadd.s32 $0xFFFFD800  }
0x43: {  	[spmem:s1] =	stream.indirect.scatter.add.f32 [tilespmem:s16], [sflag:$0x1], $0x80, s15, s11, $0xb8;
	[tilespmem:$0xA380] =	vst v63  }
0x44: {  	_ =	swait.ge [sflag:s4], $0x2800  }
0x45: {  	[sflag:s4] =	ssyncset.done $0x0  }
.Ltmp1:
0x46: {  	[sflag:s4] =	ssyncadd.s32 $0xFFFFD800;
	(pc) =	sbr.rel @p1 .LBB2_1-.Ltmp1, $4  }
0x47: {  	[bflag:$0x0] =	sbarrier.arrive $0xFFFF  }
0x48: {  	[hbm:s17], [sflag:s10] =	dma.local @!p0 [spmem:s9], $0x400  }
0x49: {  	_ =	swait.ge @!p0 [sflag:s8], $0x400  }
0x4a: {  	[sflag:s8] =	ssyncset.done @!p0 $0x0  }
.LBB2_2:
0x4b: {  	[sflag:s8] =	ssyncadd.s32 @!p0 $0xFFFFFC00  }
0x4c: {  	_ =	sfence.sel $0x180000  }
0x4d: {  	[bflag:$0x0] =	sbarrier.arrive $0xFFFF  }
0x4e: {  	_ =	strace $0x90000047  }
0x4f: {  	s0 =	sadd.s32 @!p0 $0x100000, s0;
	[bflag:$0x2] =	sbarrier.arrive $0xFFFF  }
0x50: {  	[sflag:s0] =	ssyncadd.tile.s32 @!p0 $0x1;
	_ =	shalt  }
.Lfunc_end2:
_tile_overlayer_lowered:
.L_overlay_start_2:
0x51: {  	(tag) =	ssettag $0x2  }
0x52: {  	s0 =	rddreg [dreg:$0x0];
	s2 =	stileid.u32  }
0x53: {  	s1 =	rddreg [dreg:$0x1];
	p0 =	sne.s32 s2, $0x0  }
0x54: {  	s3 =	rddreg [dreg:$0x2];
	[bflag:$0x3] =	sbarrier.arrive $0xFFFF;
	s2 =	simm.s32 @!p0 $0x1C01  }
0x55: {  	[timem:s3], [sflag:s2] =	dma.local @!p0 [hbm:s0], s1  }
0x56: {  	s0 =	simm.s32 @!p0 $0x1  }
0x57: {  	_ =	swait.ge @!p0 [sflag:s0], s1  }
0x58: {  	s1 =	ssub.s32 @!p0 $0x0, s1;
	[sflag:s0] =	ssyncset.done @!p0 $0x0  }
0x59: {  	[sflag:s0] =	ssyncadd.s32 @!p0 s1  }
0x5a: {  	[bflag:$0x3] =	sbarrier.arrive $0xFFFF  }
0x5b: {  	_ =	shalt  }

</sc_bundles>
